<compile_context>
chip_gen: v7x
topology: tpu7x:2x2x1
jax: 0.10.2.dev20260603
libtpu: 0.0.44.dev20260713+nightly
codegen_flags: <defaults>
</compile_context>

<pallas_src>
import functools

import numpy as np
import jax
import jax.numpy as jnp
from jax import lax
from jax.experimental import pallas as pl
from jax.experimental.pallas import tpu as pltpu
from jax.experimental.pallas import tpu_sc as plsc

_VOCAB = 1000000
_D = 64
_B = 4096
_S = 200
_MAX_LEN = 5000

_NC = 2
_NS = 16
_NW = _NC * _NS
_SEQ_PER_W = _B // _NW


def _pos_encoding() -> np.ndarray:
    pos = np.arange(_MAX_LEN, dtype=np.float32)[:, None]
    i = np.arange(_D, dtype=np.float32)[None, :]
    angle_rates = 1.0 / np.power(
        10000.0, (2.0 * np.floor(i / 2.0)) / np.float32(_D))
    angle_rads = pos * angle_rates
    pe = np.zeros((_MAX_LEN, _D), dtype=np.float32)
    pe[:, 0::2] = np.sin(angle_rads[:, 0::2])
    pe[:, 1::2] = np.cos(angle_rads[:, 1::2])
    return pe[:_S]


_PE = _pos_encoding()


def _emb_kernel(idx_hbm, table_hbm, pe_hbm, out_hbm, idx_v, rows_v, pe_v, sem):
    wid = lax.axis_index("s") * _NC + lax.axis_index("c")
    pltpu.sync_copy(pe_hbm, pe_v)

    def seq_body(q, carry):
        seq = wid * _SEQ_PER_W + q
        pltpu.sync_copy(idx_hbm.at[pl.ds(seq * 2, 2)], idx_v)
        cp0 = pltpu.async_copy(
            table_hbm.at[idx_v.at[0]], rows_v.at[pl.ds(0, 100)], sem)
        cp1 = pltpu.async_copy(
            table_hbm.at[idx_v.at[1]], rows_v.at[pl.ds(100, 100)], sem)
        cp0.wait()
        cp1.wait()

        def add_body(r, c):
            for d in range(_D // 16):
                sl = pl.ds(d * 16, 16)
                rows_v[r, sl] = rows_v[r, sl] + pe_v[r, sl]
            return c

        lax.fori_loop(0, _S, add_body, 0, unroll=4)
        pltpu.sync_copy(rows_v, out_hbm.at[pl.ds(seq * _S, _S)])
        return carry

    lax.fori_loop(0, _SEQ_PER_W, seq_body, 0)


@jax.jit
def _run(idx, table, pe):
    mesh = plsc.VectorSubcoreMesh(core_axis_name="c", subcore_axis_name="s")
    f = functools.partial(
        pl.kernel,
        mesh=mesh,
        out_type=jax.ShapeDtypeStruct((_B * _S, _D), jnp.float32),
        scratch_types=[
            pltpu.VMEM((2, 100), jnp.int32),
            pltpu.VMEM((_S, _D), jnp.float32),
            pltpu.VMEM((_S, _D), jnp.float32),
            pltpu.SemaphoreType.DMA,
        ],
        compiler_params=pltpu.CompilerParams(use_tc_tiling_on_sc=False),
    )(_emb_kernel)
    return f(idx, table, pe)


def kernel(x, table):
    idx = x.astype(jnp.int32).reshape(_B * 2, 100)
    out = _run(idx, table, jnp.asarray(_PE))
    return out.reshape(_B, _S, _D)

# --- scband reference (transcript-rebuilt; emitter-appended) ---
"""Pipeline reference for scband-input-embedding-43482248905385 (READ-ONLY COPY).

The authoritative reference and input builder live on the scoring server;
editing this copy changes nothing except your own understanding.
"""

import jax, jax.numpy as jnp
import numpy as np

VOCAB = 1000000
EMB_DIM = 64
MAX_LEN = 5000
BATCH = 4096
SEQ = 200


def _positional_encoding(max_len, d_model):
    pos = np.arange(max_len, dtype=np.float32)[:, None]
    i = np.arange(d_model, dtype=np.float32)[None, :]
    angle_rates = 1.0 / np.power(10000.0, (2.0 * np.floor(i / 2.0)) / np.float32(d_model))
    angle_rads = pos * angle_rates
    pe = np.zeros((max_len, d_model), dtype=np.float32)
    pe[:, 0::2] = np.sin(angle_rads[:, 0::2])
    pe[:, 1::2] = np.cos(angle_rads[:, 1::2])
    return jnp.asarray(pe)


def setup_inputs(seed: int = 0) -> dict:
    key = jax.random.key(seed)
    k1, k2 = jax.random.split(key)
    x = jax.random.randint(k1, (BATCH, SEQ), 0, VOCAB, dtype=jnp.int64)
    # embedding table (learned parameter), keras default uniform init
    table = jax.random.uniform(k2, (VOCAB, EMB_DIM), dtype=jnp.float32, minval=-0.05, maxval=0.05)
    return {"x": x, "table": table}


def reference(x, table):
    # Embedding lookup: (B, S) -> (B, S, D)
    emb = jnp.take(table, x, axis=0)
    # Add positional encoding for the first SEQ positions
    pe = _positional_encoding(MAX_LEN, EMB_DIM)
    out = emb + pe[: emb.shape[1], :][None, :, :]
    # Dropout is identity at inference (training=None)
    return out

if __name__ == "__main__":
    import jax
    _d = setup_inputs()
    print(jax.jit(kernel)(*tuple(_d.values())))

</pallas_src>

<mosaic_0001>
#map = affine_map<(d0, d1) -> (0, 0)>
module attributes {stable_mosaic.version = 14 : i64} {
  func.func @_emb_kernel(%arg0: i32, %arg1: i32, %arg2: memref<8192x100xi32, #tpu.memory_space<hbm>>, %arg3: memref<1000000x64xf32, #tpu.memory_space<hbm>>, %arg4: memref<200x64xf32, #tpu.memory_space<hbm>>, %arg5: memref<819200x64xf32, #tpu.memory_space<hbm>>, %arg6: memref<2x100xi32, #tpu.memory_space<vmem>>, %arg7: memref<200x64xf32, #tpu.memory_space<vmem>>, %arg8: memref<200x64xf32, #tpu.memory_space<vmem>>, %arg9: memref<!tpu.dma_semaphore, #tpu.memory_space<semaphore_mem>>) attributes {dimension_semantics = [#tpu.dimension_semantics<core_parallel>, #tpu.dimension_semantics<subcore_parallel>], iteration_bounds = array<i64: 2, 16>, scalar_prefetch = 0 : i64, scratch_operands = 4 : i64, tpu.core_type = #tpu.core_type<sc_vector_subcore>, window_params = [{transform_indices = #map}, {transform_indices = #map}, {transform_indices = #map}, {transform_indices = #map}]} {
    %mul3A = arith.constant 2 : i32
    %mul3A_0 = arith.muli %arg1, %mul3A : i32
    %add3A = arith.addi %mul3A_0, %arg0 : i32
    "tpu.region"() ({
      %run_scoped3A = tpu.sem_alloc : memref<!tpu.dma_semaphore, #tpu.memory_space<semaphore_mem>>
      tpu.enqueue_dma source(%arg4 : memref<200x64xf32, #tpu.memory_space<hbm>>) target(%arg8 : memref<200x64xf32, #tpu.memory_space<vmem>>) target_semaphore(%run_scoped3A : memref<!tpu.dma_semaphore, #tpu.memory_space<semaphore_mem>>)
      tpu.wait_dma2 semaphore(%run_scoped3A : memref<!tpu.dma_semaphore, #tpu.memory_space<semaphore_mem>>) src(%arg4 : memref<200x64xf32, #tpu.memory_space<hbm>>) dst(%arg8 : memref<200x64xf32, #tpu.memory_space<vmem>>)
      tpu.yield
    }) : () -> ()
    %scan3A = arith.constant 0 : i32
    %scan3A_1 = arith.constant 0 : i32
    %scan3A_2 = arith.constant 128 : i32
    %scan3A_3 = arith.addi %scan3A_1, %scan3A_2 : i32
    %scan3A_4 = arith.constant 1 : i32
    scf.for %scan3A_6 = %scan3A_1 to %scan3A_3 step %scan3A_4  : i32 {
      %mul3A_7 = arith.constant 128 : i32
      %mul3A_8 = arith.muli %add3A, %mul3A_7 : i32
      %add3A_9 = arith.addi %mul3A_8, %scan3A_6 : i32
      %mul3A_10 = arith.constant 2 : i32
      %mul3A_11 = arith.muli %add3A_9, %mul3A_10 : i32
      "tpu.region"() ({
        %run_scoped3A = tpu.sem_alloc : memref<!tpu.dma_semaphore, #tpu.memory_space<semaphore_mem>>
        %dma_start3A_58 = arith.constant 0 : i32
        %dma_start3A_59 = tpu.memref_slice %arg2[%mul3A_11, %dma_start3A_58] : memref<8192x100xi32, #tpu.memory_space<hbm>> -> memref<2x100xi32, #tpu.memory_space<hbm>>
        %dma_start3A_60 = arith.constant 0 : i32
        %dma_start3A_61 = tpu.memref_slice %arg2[%mul3A_11, %dma_start3A_60] : memref<8192x100xi32, #tpu.memory_space<hbm>> -> memref<2x100xi32, #tpu.memory_space<hbm>>
        tpu.enqueue_dma source(%dma_start3A_61 : memref<2x100xi32, #tpu.memory_space<hbm>>) target(%arg6 : memref<2x100xi32, #tpu.memory_space<vmem>>) target_semaphore(%run_scoped3A : memref<!tpu.dma_semaphore, #tpu.memory_space<semaphore_mem>>)
        %dma_wait3A_62 = arith.constant 0 : i32
        %dma_wait3A_63 = tpu.memref_slice %arg2[%mul3A_11, %dma_wait3A_62] : memref<8192x100xi32, #tpu.memory_space<hbm>> -> memref<2x100xi32, #tpu.memory_space<hbm>>
        %dma_wait3A_64 = arith.constant 0 : i32
        %dma_wait3A_65 = tpu.memref_slice %arg2[%mul3A_11, %dma_wait3A_64] : memref<8192x100xi32, #tpu.memory_space<hbm>> -> memref<2x100xi32, #tpu.memory_space<hbm>>
        tpu.wait_dma2 semaphore(%run_scoped3A : memref<!tpu.dma_semaphore, #tpu.memory_space<semaphore_mem>>) src(%dma_wait3A_65 : memref<2x100xi32, #tpu.memory_space<hbm>>) dst(%arg6 : memref<2x100xi32, #tpu.memory_space<vmem>>)
        tpu.yield
      }) : () -> ()
      %dma_start3A = arith.constant 0 : i32
      %dma_start3A_12 = arith.constant 0 : i32
      %dma_start3A_13 = arith.constant 0 : i32
      %dma_start3A_14 = tpu.memref_slice %arg7[%dma_start3A_12, %dma_start3A_13] : memref<200x64xf32, #tpu.memory_space<vmem>> -> memref<100x64xf32, #tpu.memory_space<vmem>>
      %dma_start3A_15 = arith.constant 0 : i32
      %dma_start3A_16 = tpu.memref_slice %arg6[%dma_start3A, %dma_start3A_15] : memref<2x100xi32, #tpu.memory_space<vmem>> -> memref<1x100xi32, #tpu.memory_space<vmem>>
      %dma_start3A_17 = tpu.memref_squeeze %dma_start3A_16 : memref<1x100xi32, #tpu.memory_space<vmem>> -> memref<100xi32, #tpu.memory_space<vmem>>
      %dma_start3A_18 = arith.constant 0 : i32
      %dma_start3A_19 = arith.constant 0 : i32
      %dma_start3A_20 = tpu.memref_slice %arg3[%dma_start3A_18, %dma_start3A_19] : memref<1000000x64xf32, #tpu.memory_space<hbm>> -> memref<1000000x64xf32, #tpu.memory_space<hbm>>
      tpu.enqueue_indirect_dma source(%dma_start3A_20 : memref<1000000x64xf32, #tpu.memory_space<hbm>>) target(%dma_start3A_14 : memref<100x64xf32, #tpu.memory_space<vmem>>) offsets(%dma_start3A_17 : memref<100xi32, #tpu.memory_space<vmem>>) semaphore(%arg9 : memref<!tpu.dma_semaphore, #tpu.memory_space<semaphore_mem>>)
      %dma_start3A_21 = arith.constant 1 : i32
      %dma_start3A_22 = arith.constant 100 : i32
      %dma_start3A_23 = arith.constant 0 : i32
      %dma_start3A_24 = tpu.memref_slice %arg7[%dma_start3A_22, %dma_start3A_23] : memref<200x64xf32, #tpu.memory_space<vmem>> -> memref<100x64xf32, #tpu.memory_space<vmem>>
      %dma_start3A_25 = arith.constant 0 : i32
      %dma_start3A_26 = tpu.memref_slice %arg6[%dma_start3A_21, %dma_start3A_25] : memref<2x100xi32, #tpu.memory_space<vmem>> -> memref<1x100xi32, #tpu.memory_space<vmem>>
      %dma_start3A_27 = tpu.memref_squeeze %dma_start3A_26 : memref<1x100xi32, #tpu.memory_space<vmem>> -> memref<100xi32, #tpu.memory_space<vmem>>
      %dma_start3A_28 = arith.constant 0 : i32
      %dma_start3A_29 = arith.constant 0 : i32
      %dma_start3A_30 = tpu.memref_slice %arg3[%dma_start3A_28, %dma_start3A_29] : memref<1000000x64xf32, #tpu.memory_space<hbm>> -> memref<1000000x64xf32, #tpu.memory_space<hbm>>
      tpu.enqueue_indirect_dma source(%dma_start3A_30 : memref<1000000x64xf32, #tpu.memory_space<hbm>>) target(%dma_start3A_24 : memref<100x64xf32, #tpu.memory_space<vmem>>) offsets(%dma_start3A_27 : memref<100xi32, #tpu.memory_space<vmem>>) semaphore(%arg9 : memref<!tpu.dma_semaphore, #tpu.memory_space<semaphore_mem>>)
      %dma_wait3A = arith.constant 0 : i32
      %dma_wait3A_31 = arith.constant 0 : i32
      %dma_wait3A_32 = arith.constant 0 : i32
      %dma_wait3A_33 = tpu.memref_slice %arg7[%dma_wait3A_31, %dma_wait3A_32] : memref<200x64xf32, #tpu.memory_space<vmem>> -> memref<100x64xf32, #tpu.memory_space<vmem>>
      %dma_wait3A_34 = arith.constant 0 : i32
      %dma_wait3A_35 = tpu.memref_slice %arg6[%dma_wait3A, %dma_wait3A_34] : memref<2x100xi32, #tpu.memory_space<vmem>> -> memref<1x100xi32, #tpu.memory_space<vmem>>
      %dma_wait3A_36 = tpu.memref_squeeze %dma_wait3A_35 : memref<1x100xi32, #tpu.memory_space<vmem>> -> memref<100xi32, #tpu.memory_space<vmem>>
      %dma_wait3A_37 = arith.constant 0 : i32
      %dma_wait3A_38 = arith.constant 0 : i32
      %dma_wait3A_39 = tpu.memref_slice %arg3[%dma_wait3A_37, %dma_wait3A_38] : memref<1000000x64xf32, #tpu.memory_space<hbm>> -> memref<1000000x64xf32, #tpu.memory_space<hbm>>
      tpu.wait_indirect_dma semaphore(%arg9 : memref<!tpu.dma_semaphore, #tpu.memory_space<semaphore_mem>>) src(%dma_wait3A_39 : memref<1000000x64xf32, #tpu.memory_space<hbm>>) dst(%dma_wait3A_33 : memref<100x64xf32, #tpu.memory_space<vmem>>)
      %dma_wait3A_40 = arith.constant 1 : i32
      %dma_wait3A_41 = arith.constant 100 : i32
      %dma_wait3A_42 = arith.constant 0 : i32
      %dma_wait3A_43 = tpu.memref_slice %arg7[%dma_wait3A_41, %dma_wait3A_42] : memref<200x64xf32, #tpu.memory_space<vmem>> -> memref<100x64xf32, #tpu.memory_space<vmem>>
      %dma_wait3A_44 = arith.constant 0 : i32
      %dma_wait3A_45 = tpu.memref_slice %arg6[%dma_wait3A_40, %dma_wait3A_44] : memref<2x100xi32, #tpu.memory_space<vmem>> -> memref<1x100xi32, #tpu.memory_space<vmem>>
      %dma_wait3A_46 = tpu.memref_squeeze %dma_wait3A_45 : memref<1x100xi32, #tpu.memory_space<vmem>> -> memref<100xi32, #tpu.memory_space<vmem>>
      %dma_wait3A_47 = arith.constant 0 : i32
      %dma_wait3A_48 = arith.constant 0 : i32
      %dma_wait3A_49 = tpu.memref_slice %arg3[%dma_wait3A_47, %dma_wait3A_48] : memref<1000000x64xf32, #tpu.memory_space<hbm>> -> memref<1000000x64xf32, #tpu.memory_space<hbm>>
      tpu.wait_indirect_dma semaphore(%arg9 : memref<!tpu.dma_semaphore, #tpu.memory_space<semaphore_mem>>) src(%dma_wait3A_49 : memref<1000000x64xf32, #tpu.memory_space<hbm>>) dst(%dma_wait3A_43 : memref<100x64xf32, #tpu.memory_space<vmem>>)
      %scan3A_50 = arith.constant 0 : i32
      %scan3A_51 = arith.constant 0 : i32
      %scan3A_52 = arith.constant 200 : i32
      %scan3A_53 = arith.addi %scan3A_51, %scan3A_52 : i32
      %scan3A_54 = arith.constant 4 : i32
      scf.for %scan3A_58 = %scan3A_51 to %scan3A_53 step %scan3A_54  : i32 {
        %get3A = arith.index_cast %scan3A_58 : i32 to index
        %get3A_59 = arith.constant 0 : index
        %get3A_60 = tpu.vector_load %arg7[%get3A, %get3A_59] {strides = array<i32>} : memref<200x64xf32, #tpu.memory_space<vmem>>, vector<1x16xf32>,
        %get3A_61 = vector.shape_cast %get3A_60 : vector<1x16xf32> to vector<16xf32>
        %get3A_62 = arith.index_cast %scan3A_58 : i32 to index
        %get3A_63 = arith.constant 0 : index
        %get3A_64 = tpu.vector_load %arg8[%get3A_62, %get3A_63] {strides = array<i32>} : memref<200x64xf32, #tpu.memory_space<vmem>>, vector<1x16xf32>,
        %get3A_65 = vector.shape_cast %get3A_64 : vector<1x16xf32> to vector<16xf32>
        %add3A_66 = arith.addf %get3A_61, %get3A_65 : vector<16xf32>
        %swap3A = arith.index_cast %scan3A_58 : i32 to index
        %swap3A_67 = arith.constant 0 : index
        %swap3A_68 = tpu.vector_load %arg7[%swap3A, %swap3A_67] {strides = array<i32>} : memref<200x64xf32, #tpu.memory_space<vmem>>, vector<1x16xf32>,
        %swap3A_69 = vector.shape_cast %swap3A_68 : vector<1x16xf32> to vector<16xf32>
        %swap3A_70 = vector.shape_cast %add3A_66 : vector<16xf32> to vector<1x16xf32>
        tpu.vector_store %arg7[%swap3A, %swap3A_67], %swap3A_70 {strides = array<i32>} : memref<200x64xf32, #tpu.memory_space<vmem>>, vector<1x16xf32>,
        %get3A_71 = arith.index_cast %scan3A_58 : i32 to index
        %get3A_72 = arith.constant 16 : index
        %get3A_73 = tpu.vector_load %arg7[%get3A_71, %get3A_72] {strides = array<i32>} : memref<200x64xf32, #tpu.memory_space<vmem>>, vector<1x16xf32>,
        %get3A_74 = vector.shape_cast %get3A_73 : vector<1x16xf32> to vector<16xf32>
        %get3A_75 = arith.index_cast %scan3A_58 : i32 to index
        %get3A_76 = arith.constant 16 : index
        %get3A_77 = tpu.vector_load %arg8[%get3A_75, %get3A_76] {strides = array<i32>} : memref<200x64xf32, #tpu.memory_space<vmem>>, vector<1x16xf32>,
        %get3A_78 = vector.shape_cast %get3A_77 : vector<1x16xf32> to vector<16xf32>
        %add3A_79 = arith.addf %get3A_74, %get3A_78 : vector<16xf32>
        %swap3A_80 = arith.index_cast %scan3A_58 : i32 to index
        %swap3A_81 = arith.constant 16 : index
        %swap3A_82 = tpu.vector_load %arg7[%swap3A_80, %swap3A_81] {strides = array<i32>} : memref<200x64xf32, #tpu.memory_space<vmem>>, vector<1x16xf32>,
        %swap3A_83 = vector.shape_cast %swap3A_82 : vector<1x16xf32> to vector<16xf32>
        %swap3A_84 = vector.shape_cast %add3A_79 : vector<16xf32> to vector<1x16xf32>
        tpu.vector_store %arg7[%swap3A_80, %swap3A_81], %swap3A_84 {strides = array<i32>} : memref<200x64xf32, #tpu.memory_space<vmem>>, vector<1x16xf32>,
        %get3A_85 = arith.index_cast %scan3A_58 : i32 to index
        %get3A_86 = arith.constant 32 : index
        %get3A_87 = tpu.vector_load %arg7[%get3A_85, %get3A_86] {strides = array<i32>} : memref<200x64xf32, #tpu.memory_space<vmem>>, vector<1x16xf32>,
        %get3A_88 = vector.shape_cast %get3A_87 : vector<1x16xf32> to vector<16xf32>
        %get3A_89 = arith.index_cast %scan3A_58 : i32 to index
        %get3A_90 = arith.constant 32 : index
        %get3A_91 = tpu.vector_load %arg8[%get3A_89, %get3A_90] {strides = array<i32>} : memref<200x64xf32, #tpu.memory_space<vmem>>, vector<1x16xf32>,
        %get3A_92 = vector.shape_cast %get3A_91 : vector<1x16xf32> to vector<16xf32>
        %add3A_93 = arith.addf %get3A_88, %get3A_92 : vector<16xf32>
        %swap3A_94 = arith.index_cast %scan3A_58 : i32 to index
        %swap3A_95 = arith.constant 32 : index
        %swap3A_96 = tpu.vector_load %arg7[%swap3A_94, %swap3A_95] {strides = array<i32>} : memref<200x64xf32, #tpu.memory_space<vmem>>, vector<1x16xf32>,
        %swap3A_97 = vector.shape_cast %swap3A_96 : vector<1x16xf32> to vector<16xf32>
        %swap3A_98 = vector.shape_cast %add3A_93 : vector<16xf32> to vector<1x16xf32>
        tpu.vector_store %arg7[%swap3A_94, %swap3A_95], %swap3A_98 {strides = array<i32>} : memref<200x64xf32, #tpu.memory_space<vmem>>, vector<1x16xf32>,
        %get3A_99 = arith.index_cast %scan3A_58 : i32 to index
        %get3A_100 = arith.constant 48 : index
        %get3A_101 = tpu.vector_load %arg7[%get3A_99, %get3A_100] {strides = array<i32>} : memref<200x64xf32, #tpu.memory_space<vmem>>, vector<1x16xf32>,
        %get3A_102 = vector.shape_cast %get3A_101 : vector<1x16xf32> to vector<16xf32>
        %get3A_103 = arith.index_cast %scan3A_58 : i32 to index
        %get3A_104 = arith.constant 48 : index
        %get3A_105 = tpu.vector_load %arg8[%get3A_103, %get3A_104] {strides = array<i32>} : memref<200x64xf32, #tpu.memory_space<vmem>>, vector<1x16xf32>,
        %get3A_106 = vector.shape_cast %get3A_105 : vector<1x16xf32> to vector<16xf32>
        %add3A_107 = arith.addf %get3A_102, %get3A_106 : vector<16xf32>
        %swap3A_108 = arith.index_cast %scan3A_58 : i32 to index
        %swap3A_109 = arith.constant 48 : index
        %swap3A_110 = tpu.vector_load %arg7[%swap3A_108, %swap3A_109] {strides = array<i32>} : memref<200x64xf32, #tpu.memory_space<vmem>>, vector<1x16xf32>,
        %swap3A_111 = vector.shape_cast %swap3A_110 : vector<1x16xf32> to vector<16xf32>
        %swap3A_112 = vector.shape_cast %add3A_107 : vector<16xf32> to vector<1x16xf32>
        tpu.vector_store %arg7[%swap3A_108, %swap3A_109], %swap3A_112 {strides = array<i32>} : memref<200x64xf32, #tpu.memory_space<vmem>>, vector<1x16xf32>,
        %scan3A_113 = arith.constant 1 : i32
        %scan3A_114 = arith.addi %scan3A_58, %scan3A_113 : i32
        %get3A_115 = arith.index_cast %scan3A_114 : i32 to index
        %get3A_116 = arith.constant 0 : index
        %get3A_117 = tpu.vector_load %arg7[%get3A_115, %get3A_116] {strides = array<i32>} : memref<200x64xf32, #tpu.memory_space<vmem>>, vector<1x16xf32>,
        %get3A_118 = vector.shape_cast %get3A_117 : vector<1x16xf32> to vector<16xf32>
        %get3A_119 = arith.index_cast %scan3A_114 : i32 to index
        %get3A_120 = arith.constant 0 : index
        %get3A_121 = tpu.vector_load %arg8[%get3A_119, %get3A_120] {strides = array<i32>} : memref<200x64xf32, #tpu.memory_space<vmem>>, vector<1x16xf32>,
        %get3A_122 = vector.shape_cast %get3A_121 : vector<1x16xf32> to vector<16xf32>
        %add3A_123 = arith.addf %get3A_118, %get3A_122 : vector<16xf32>
        %swap3A_124 = arith.index_cast %scan3A_114 : i32 to index
        %swap3A_125 = arith.constant 0 : index
        %swap3A_126 = tpu.vector_load %arg7[%swap3A_124, %swap3A_125] {strides = array<i32>} : memref<200x64xf32, #tpu.memory_space<vmem>>, vector<1x16xf32>,
        %swap3A_127 = vector.shape_cast %swap3A_126 : vector<1x16xf32> to vector<16xf32>
        %swap3A_128 = vector.shape_cast %add3A_123 : vector<16xf32> to vector<1x16xf32>
        tpu.vector_store %arg7[%swap3A_124, %swap3A_125], %swap3A_128 {strides = array<i32>} : memref<200x64xf32, #tpu.memory_space<vmem>>, vector<1x16xf32>,
        %get3A_129 = arith.index_cast %scan3A_114 : i32 to index
        %get3A_130 = arith.constant 16 : index
        %get3A_131 = tpu.vector_load %arg7[%get3A_129, %get3A_130] {strides = array<i32>} : memref<200x64xf32, #tpu.memory_space<vmem>>, vector<1x16xf32>,
        %get3A_132 = vector.shape_cast %get3A_131 : vector<1x16xf32> to vector<16xf32>
        %get3A_133 = arith.index_cast %scan3A_114 : i32 to index
        %get3A_134 = arith.constant 16 : index
        %get3A_135 = tpu.vector_load %arg8[%get3A_133, %get3A_134] {strides = array<i32>} : memref<200x64xf32, #tpu.memory_space<vmem>>, vector<1x16xf32>,
        %get3A_136 = vector.shape_cast %get3A_135 : vector<1x16xf32> to vector<16xf32>
        %add3A_137 = arith.addf %get3A_132, %get3A_136 : vector<16xf32>
        %swap3A_138 = arith.index_cast %scan3A_114 : i32 to index
        %swap3A_139 = arith.constant 16 : index
        %swap3A_140 = tpu.vector_load %arg7[%swap3A_138, %swap3A_139] {strides = array<i32>} : memref<200x64xf32, #tpu.memory_space<vmem>>, vector<1x16xf32>,
        %swap3A_141 = vector.shape_cast %swap3A_140 : vector<1x16xf32> to vector<16xf32>
        %swap3A_142 = vector.shape_cast %add3A_137 : vector<16xf32> to vector<1x16xf32>
        tpu.vector_store %arg7[%swap3A_138, %swap3A_139], %swap3A_142 {strides = array<i32>} : memref<200x64xf32, #tpu.memory_space<vmem>>, vector<1x16xf32>,
        %get3A_143 = arith.index_cast %scan3A_114 : i32 to index
        %get3A_144 = arith.constant 32 : index
        %get3A_145 = tpu.vector_load %arg7[%get3A_143, %get3A_144] {strides = array<i32>} : memref<200x64xf32, #tpu.memory_space<vmem>>, vector<1x16xf32>,
        %get3A_146 = vector.shape_cast %get3A_145 : vector<1x16xf32> to vector<16xf32>
        %get3A_147 = arith.index_cast %scan3A_114 : i32 to index
        %get3A_148 = arith.constant 32 : index
        %get3A_149 = tpu.vector_load %arg8[%get3A_147, %get3A_148] {strides = array<i32>} : memref<200x64xf32, #tpu.memory_space<vmem>>, vector<1x16xf32>,
        %get3A_150 = vector.shape_cast %get3A_149 : vector<1x16xf32> to vector<16xf32>
        %add3A_151 = arith.addf %get3A_146, %get3A_150 : vector<16xf32>
        %swap3A_152 = arith.index_cast %scan3A_114 : i32 to index
        %swap3A_153 = arith.constant 32 : index
        %swap3A_154 = tpu.vector_load %arg7[%swap3A_152, %swap3A_153] {strides = array<i32>} : memref<200x64xf32, #tpu.memory_space<vmem>>, vector<1x16xf32>,
        %swap3A_155 = vector.shape_cast %swap3A_154 : vector<1x16xf32> to vector<16xf32>
        %swap3A_156 = vector.shape_cast %add3A_151 : vector<16xf32> to vector<1x16xf32>
        tpu.vector_store %arg7[%swap3A_152, %swap3A_153], %swap3A_156 {strides = array<i32>} : memref<200x64xf32, #tpu.memory_space<vmem>>, vector<1x16xf32>,
        %get3A_157 = arith.index_cast %scan3A_114 : i32 to index
        %get3A_158 = arith.constant 48 : index
        %get3A_159 = tpu.vector_load %arg7[%get3A_157, %get3A_158] {strides = array<i32>} : memref<200x64xf32, #tpu.memory_space<vmem>>, vector<1x16xf32>,
        %get3A_160 = vector.shape_cast %get3A_159 : vector<1x16xf32> to vector<16xf32>
        %get3A_161 = arith.index_cast %scan3A_114 : i32 to index
        %get3A_162 = arith.constant 48 : index
        %get3A_163 = tpu.vector_load %arg8[%get3A_161, %get3A_162] {strides = array<i32>} : memref<200x64xf32, #tpu.memory_space<vmem>>, vector<1x16xf32>,
        %get3A_164 = vector.shape_cast %get3A_163 : vector<1x16xf32> to vector<16xf32>
        %add3A_165 = arith.addf %get3A_160, %get3A_164 : vector<16xf32>
        %swap3A_166 = arith.index_cast %scan3A_114 : i32 to index
        %swap3A_167 = arith.constant 48 : index
        %swap3A_168 = tpu.vector_load %arg7[%swap3A_166, %swap3A_167] {strides = array<i32>} : memref<200x64xf32, #tpu.memory_space<vmem>>, vector<1x16xf32>,
        %swap3A_169 = vector.shape_cast %swap3A_168 : vector<1x16xf32> to vector<16xf32>
        %swap3A_170 = vector.shape_cast %add3A_165 : vector<16xf32> to vector<1x16xf32>
        tpu.vector_store %arg7[%swap3A_166, %swap3A_167], %swap3A_170 {strides = array<i32>} : memref<200x64xf32, #tpu.memory_space<vmem>>, vector<1x16xf32>,
        %scan3A_171 = arith.constant 2 : i32
        %scan3A_172 = arith.addi %scan3A_58, %scan3A_171 : i32
        %get3A_173 = arith.index_cast %scan3A_172 : i32 to index
        %get3A_174 = arith.constant 0 : index
        %get3A_175 = tpu.vector_load %arg7[%get3A_173, %get3A_174] {strides = array<i32>} : memref<200x64xf32, #tpu.memory_space<vmem>>, vector<1x16xf32>,
        %get3A_176 = vector.shape_cast %get3A_175 : vector<1x16xf32> to vector<16xf32>
        %get3A_177 = arith.index_cast %scan3A_172 : i32 to index
        %get3A_178 = arith.constant 0 : index
        %get3A_179 = tpu.vector_load %arg8[%get3A_177, %get3A_178] {strides = array<i32>} : memref<200x64xf32, #tpu.memory_space<vmem>>, vector<1x16xf32>,
        %get3A_180 = vector.shape_cast %get3A_179 : vector<1x16xf32> to vector<16xf32>
        %add3A_181 = arith.addf %get3A_176, %get3A_180 : vector<16xf32>
        %swap3A_182 = arith.index_cast %scan3A_172 : i32 to index
        %swap3A_183 = arith.constant 0 : index
        %swap3A_184 = tpu.vector_load %arg7[%swap3A_182, %swap3A_183] {strides = array<i32>} : memref<200x64xf32, #tpu.memory_space<vmem>>, vector<1x16xf32>,
        %swap3A_185 = vector.shape_cast %swap3A_184 : vector<1x16xf32> to vector<16xf32>
        %swap3A_186 = vector.shape_cast %add3A_181 : vector<16xf32> to vector<1x16xf32>
        tpu.vector_store %arg7[%swap3A_182, %swap3A_183], %swap3A_186 {strides = array<i32>} : memref<200x64xf32, #tpu.memory_space<vmem>>, vector<1x16xf32>,
        %get3A_187 = arith.index_cast %scan3A_172 : i32 to index
        %get3A_188 = arith.constant 16 : index
        %get3A_189 = tpu.vector_load %arg7[%get3A_187, %get3A_188] {strides = array<i32>} : memref<200x64xf32, #tpu.memory_space<vmem>>, vector<1x16xf32>,
        %get3A_190 = vector.shape_cast %get3A_189 : vector<1x16xf32> to vector<16xf32>
        %get3A_191 = arith.index_cast %scan3A_172 : i32 to index
        %get3A_192 = arith.constant 16 : index
        %get3A_193 = tpu.vector_load %arg8[%get3A_191, %get3A_192] {strides = array<i32>} : memref<200x64xf32, #tpu.memory_space<vmem>>, vector<1x16xf32>,
        %get3A_194 = vector.shape_cast %get3A_193 : vector<1x16xf32> to vector<16xf32>
        %add3A_195 = arith.addf %get3A_190, %get3A_194 : vector<16xf32>
        %swap3A_196 = arith.index_cast %scan3A_172 : i32 to index
        %swap3A_197 = arith.constant 16 : index
        %swap3A_198 = tpu.vector_load %arg7[%swap3A_196, %swap3A_197] {strides = array<i32>} : memref<200x64xf32, #tpu.memory_space<vmem>>, vector<1x16xf32>,
        %swap3A_199 = vector.shape_cast %swap3A_198 : vector<1x16xf32> to vector<16xf32>
        %swap3A_200 = vector.shape_cast %add3A_195 : vector<16xf32> to vector<1x16xf32>
        tpu.vector_store %arg7[%swap3A_196, %swap3A_197], %swap3A_200 {strides = array<i32>} : memref<200x64xf32, #tpu.memory_space<vmem>>, vector<1x16xf32>,
        %get3A_201 = arith.index_cast %scan3A_172 : i32 to index
        %get3A_202 = arith.constant 32 : index
        %get3A_203 = tpu.vector_load %arg7[%get3A_201, %get3A_202] {strides = array<i32>} : memref<200x64xf32, #tpu.memory_space<vmem>>, vector<1x16xf32>,
        %get3A_204 = vector.shape_cast %get3A_203 : vector<1x16xf32> to vector<16xf32>
        %get3A_205 = arith.index_cast %scan3A_172 : i32 to index
        %get3A_206 = arith.constant 32 : index
        %get3A_207 = tpu.vector_load %arg8[%get3A_205, %get3A_206] {strides = array<i32>} : memref<200x64xf32, #tpu.memory_space<vmem>>, vector<1x16xf32>,
        %get3A_208 = vector.shape_cast %get3A_207 : vector<1x16xf32> to vector<16xf32>
        %add3A_209 = arith.addf %get3A_204, %get3A_208 : vector<16xf32>
        %swap3A_210 = arith.index_cast %scan3A_172 : i32 to index
        %swap3A_211 = arith.constant 32 : index
        %swap3A_212 = tpu.vector_load %arg7[%swap3A_210, %swap3A_211] {strides = array<i32>} : memref<200x64xf32, #tpu.memory_space<vmem>>, vector<1x16xf32>,
        %swap3A_213 = vector.shape_cast %swap3A_212 : vector<1x16xf32> to vector<16xf32>
        %swap3A_214 = vector.shape_cast %add3A_209 : vector<16xf32> to vector<1x16xf32>
        tpu.vector_store %arg7[%swap3A_210, %swap3A_211], %swap3A_214 {strides = array<i32>} : memref<200x64xf32, #tpu.memory_space<vmem>>, vector<1x16xf32>,
        %get3A_215 = arith.index_cast %scan3A_172 : i32 to index
        %get3A_216 = arith.constant 48 : index
        %get3A_217 = tpu.vector_load %arg7[%get3A_215, %get3A_216] {strides = array<i32>} : memref<200x64xf32, #tpu.memory_space<vmem>>, vector<1x16xf32>,
        %get3A_218 = vector.shape_cast %get3A_217 : vector<1x16xf32> to vector<16xf32>
        %get3A_219 = arith.index_cast %scan3A_172 : i32 to index
        %get3A_220 = arith.constant 48 : index
        %get3A_221 = tpu.vector_load %arg8[%get3A_219, %get3A_220] {strides = array<i32>} : memref<200x64xf32, #tpu.memory_space<vmem>>, vector<1x16xf32>,
        %get3A_222 = vector.shape_cast %get3A_221 : vector<1x16xf32> to vector<16xf32>
        %add3A_223 = arith.addf %get3A_218, %get3A_222 : vector<16xf32>
        %swap3A_224 = arith.index_cast %scan3A_172 : i32 to index
        %swap3A_225 = arith.constant 48 : index
        %swap3A_226 = tpu.vector_load %arg7[%swap3A_224, %swap3A_225] {strides = array<i32>} : memref<200x64xf32, #tpu.memory_space<vmem>>, vector<1x16xf32>,
        %swap3A_227 = vector.shape_cast %swap3A_226 : vector<1x16xf32> to vector<16xf32>
        %swap3A_228 = vector.shape_cast %add3A_223 : vector<16xf32> to vector<1x16xf32>
        tpu.vector_store %arg7[%swap3A_224, %swap3A_225], %swap3A_228 {strides = array<i32>} : memref<200x64xf32, #tpu.memory_space<vmem>>, vector<1x16xf32>,
        %scan3A_229 = arith.constant 3 : i32
        %scan3A_230 = arith.addi %scan3A_58, %scan3A_229 : i32
        %get3A_231 = arith.index_cast %scan3A_230 : i32 to index
        %get3A_232 = arith.constant 0 : index
        %get3A_233 = tpu.vector_load %arg7[%get3A_231, %get3A_232] {strides = array<i32>} : memref<200x64xf32, #tpu.memory_space<vmem>>, vector<1x16xf32>,
        %get3A_234 = vector.shape_cast %get3A_233 : vector<1x16xf32> to vector<16xf32>
        %get3A_235 = arith.index_cast %scan3A_230 : i32 to index
        %get3A_236 = arith.constant 0 : index
        %get3A_237 = tpu.vector_load %arg8[%get3A_235, %get3A_236] {strides = array<i32>} : memref<200x64xf32, #tpu.memory_space<vmem>>, vector<1x16xf32>,
        %get3A_238 = vector.shape_cast %get3A_237 : vector<1x16xf32> to vector<16xf32>
        %add3A_239 = arith.addf %get3A_234, %get3A_238 : vector<16xf32>
        %swap3A_240 = arith.index_cast %scan3A_230 : i32 to index
        %swap3A_241 = arith.constant 0 : index
        %swap3A_242 = tpu.vector_load %arg7[%swap3A_240, %swap3A_241] {strides = array<i32>} : memref<200x64xf32, #tpu.memory_space<vmem>>, vector<1x16xf32>,
        %swap3A_243 = vector.shape_cast %swap3A_242 : vector<1x16xf32> to vector<16xf32>
        %swap3A_244 = vector.shape_cast %add3A_239 : vector<16xf32> to vector<1x16xf32>
        tpu.vector_store %arg7[%swap3A_240, %swap3A_241], %swap3A_244 {strides = array<i32>} : memref<200x64xf32, #tpu.memory_space<vmem>>, vector<1x16xf32>,
        %get3A_245 = arith.index_cast %scan3A_230 : i32 to index
        %get3A_246 = arith.constant 16 : index
        %get3A_247 = tpu.vector_load %arg7[%get3A_245, %get3A_246] {strides = array<i32>} : memref<200x64xf32, #tpu.memory_space<vmem>>, vector<1x16xf32>,
        %get3A_248 = vector.shape_cast %get3A_247 : vector<1x16xf32> to vector<16xf32>
        %get3A_249 = arith.index_cast %scan3A_230 : i32 to index
        %get3A_250 = arith.constant 16 : index
        %get3A_251 = tpu.vector_load %arg8[%get3A_249, %get3A_250] {strides = array<i32>} : memref<200x64xf32, #tpu.memory_space<vmem>>, vector<1x16xf32>,
        %get3A_252 = vector.shape_cast %get3A_251 : vector<1x16xf32> to vector<16xf32>
        %add3A_253 = arith.addf %get3A_248, %get3A_252 : vector<16xf32>
        %swap3A_254 = arith.index_cast %scan3A_230 : i32 to index
        %swap3A_255 = arith.constant 16 : index
        %swap3A_256 = tpu.vector_load %arg7[%swap3A_254, %swap3A_255] {strides = array<i32>} : memref<200x64xf32, #tpu.memory_space<vmem>>, vector<1x16xf32>,
        %swap3A_257 = vector.shape_cast %swap3A_256 : vector<1x16xf32> to vector<16xf32>
        %swap3A_258 = vector.shape_cast %add3A_253 : vector<16xf32> to vector<1x16xf32>
        tpu.vector_store %arg7[%swap3A_254, %swap3A_255], %swap3A_258 {strides = array<i32>} : memref<200x64xf32, #tpu.memory_space<vmem>>, vector<1x16xf32>,
        %get3A_259 = arith.index_cast %scan3A_230 : i32 to index
        %get3A_260 = arith.constant 32 : index
        %get3A_261 = tpu.vector_load %arg7[%get3A_259, %get3A_260] {strides = array<i32>} : memref<200x64xf32, #tpu.memory_space<vmem>>, vector<1x16xf32>,
        %get3A_262 = vector.shape_cast %get3A_261 : vector<1x16xf32> to vector<16xf32>
        %get3A_263 = arith.index_cast %scan3A_230 : i32 to index
        %get3A_264 = arith.constant 32 : index
        %get3A_265 = tpu.vector_load %arg8[%get3A_263, %get3A_264] {strides = array<i32>} : memref<200x64xf32, #tpu.memory_space<vmem>>, vector<1x16xf32>,
        %get3A_266 = vector.shape_cast %get3A_265 : vector<1x16xf32> to vector<16xf32>
        %add3A_267 = arith.addf %get3A_262, %get3A_266 : vector<16xf32>
        %swap3A_268 = arith.index_cast %scan3A_230 : i32 to index
        %swap3A_269 = arith.constant 32 : index
        %swap3A_270 = tpu.vector_load %arg7[%swap3A_268, %swap3A_269] {strides = array<i32>} : memref<200x64xf32, #tpu.memory_space<vmem>>, vector<1x16xf32>,
        %swap3A_271 = vector.shape_cast %swap3A_270 : vector<1x16xf32> to vector<16xf32>
        %swap3A_272 = vector.shape_cast %add3A_267 : vector<16xf32> to vector<1x16xf32>
        tpu.vector_store %arg7[%swap3A_268, %swap3A_269], %swap3A_272 {strides = array<i32>} : memref<200x64xf32, #tpu.memory_space<vmem>>, vector<1x16xf32>,
        %get3A_273 = arith.index_cast %scan3A_230 : i32 to index
        %get3A_274 = arith.constant 48 : index
        %get3A_275 = tpu.vector_load %arg7[%get3A_273, %get3A_274] {strides = array<i32>} : memref<200x64xf32, #tpu.memory_space<vmem>>, vector<1x16xf32>,
        %get3A_276 = vector.shape_cast %get3A_275 : vector<1x16xf32> to vector<16xf32>
        %get3A_277 = arith.index_cast %scan3A_230 : i32 to index
        %get3A_278 = arith.constant 48 : index
        %get3A_279 = tpu.vector_load %arg8[%get3A_277, %get3A_278] {strides = array<i32>} : memref<200x64xf32, #tpu.memory_space<vmem>>, vector<1x16xf32>,
        %get3A_280 = vector.shape_cast %get3A_279 : vector<1x16xf32> to vector<16xf32>
        %add3A_281 = arith.addf %get3A_276, %get3A_280 : vector<16xf32>
        %swap3A_282 = arith.index_cast %scan3A_230 : i32 to index
        %swap3A_283 = arith.constant 48 : index
        %swap3A_284 = tpu.vector_load %arg7[%swap3A_282, %swap3A_283] {strides = array<i32>} : memref<200x64xf32, #tpu.memory_space<vmem>>, vector<1x16xf32>,
        %swap3A_285 = vector.shape_cast %swap3A_284 : vector<1x16xf32> to vector<16xf32>
        %swap3A_286 = vector.shape_cast %add3A_281 : vector<16xf32> to vector<1x16xf32>
        tpu.vector_store %arg7[%swap3A_282, %swap3A_283], %swap3A_286 {strides = array<i32>} : memref<200x64xf32, #tpu.memory_space<vmem>>, vector<1x16xf32>,
      }
      %scan3A_55 = arith.constant 200 : i32
      %mul3A_56 = arith.constant 200 : i32
      %mul3A_57 = arith.muli %add3A_9, %mul3A_56 : i32
      "tpu.region"() ({
        %run_scoped3A = tpu.sem_alloc : memref<!tpu.dma_semaphore, #tpu.memory_space<semaphore_mem>>
        %dma_start3A_58 = arith.constant 0 : i32
        %dma_start3A_59 = tpu.memref_slice %arg5[%mul3A_57, %dma_start3A_58] : memref<819200x64xf32, #tpu.memory_space<hbm>> -> memref<200x64xf32, #tpu.memory_space<hbm>>
        %dma_start3A_60 = arith.constant 0 : i32
        %dma_start3A_61 = tpu.memref_slice %arg5[%mul3A_57, %dma_start3A_60] : memref<819200x64xf32, #tpu.memory_space<hbm>> -> memref<200x64xf32, #tpu.memory_space<hbm>>
        tpu.enqueue_dma source(%arg7 : memref<200x64xf32, #tpu.memory_space<vmem>>) target(%dma_start3A_61 : memref<200x64xf32, #tpu.memory_space<hbm>>) target_semaphore(%run_scoped3A : memref<!tpu.dma_semaphore, #tpu.memory_space<semaphore_mem>>)
        %dma_wait3A_62 = arith.constant 0 : i32
        %dma_wait3A_63 = tpu.memref_slice %arg5[%mul3A_57, %dma_wait3A_62] : memref<819200x64xf32, #tpu.memory_space<hbm>> -> memref<200x64xf32, #tpu.memory_space<hbm>>
        %dma_wait3A_64 = arith.constant 0 : i32
        %dma_wait3A_65 = tpu.memref_slice %arg5[%mul3A_57, %dma_wait3A_64] : memref<819200x64xf32, #tpu.memory_space<hbm>> -> memref<200x64xf32, #tpu.memory_space<hbm>>
        tpu.wait_dma2 semaphore(%run_scoped3A : memref<!tpu.dma_semaphore, #tpu.memory_space<semaphore_mem>>) src(%arg7 : memref<200x64xf32, #tpu.memory_space<vmem>>) dst(%dma_wait3A_65 : memref<200x64xf32, #tpu.memory_space<hbm>>)
        tpu.yield
      }) : () -> ()
    }
    %scan3A_5 = arith.constant 128 : i32
    return
  }
}

</mosaic_0001>

<sc_bundles>
// kernel: _run.3.cloned.1.call-start
scs
__scs_entry_jumppad:
0x0: {  	(pc) =	sbr.rel $0x88, $3  }
0x1: {  	(tag) =	ssettag $0x0;
	lr =	simm.s32 $0x1  }
0x2: {  	[smem:$0x3F9E] =	sst lr;
	_ =	strace $0xD0000000  }
0x3: {  	_ = 	snop  }
0x4: {  	_ = 	snop  }
0x5: {  	_ = 	snop  }
0x6: {  	_ = 	snop  }
0x7: {  	_ = 	snop  }
__scs_overlays_trampoline_lowered:
0x8: {  	[smem:$0x3FAD] =	sst s0  }
0x9: {  	[smem:$0x3FAE] =	sst s1  }
0xa: {  	[smem:$0x3FAF] =	sst s2  }
0xb: {  	[smem:$0x3FB0] =	sst s3  }
0xc: {  	[smem:$0x3FB1] =	sst s4  }
0xd: {  	[smem:$0x3FB2] =	sst s5  }
0xe: {  	[smem:$0x3FB3] =	sst s6  }
0xf: {  	[smem:$0x3FB4] =	sst s7  }
0x10: {  	[smem:$0x3FB5] =	sst s8  }
0x11: {  	[smem:$0x3FB6] =	sst s9;
	s0 =	simm.s32 @!p0 $0x0  }
0x12: {  	s1 =	sld [smem:$0x3F9C];
	s0 =	simm.s32 @p0 $0x1  }
0x13: {  	[smem:$0x3FB7] =	sst s0;
	s0 =	simm.s32 @!p1 $0x0  }
0x14: {  	s2 =	sld [smem:$0x3F9B];
	s0 =	simm.s32 @p1 $0x1  }
0x15: {  	[smem:$0x3FB8] =	sst s0;
	s0 =	simm.s32 @!p2 $0x0  }
0x16: {  	s3 =	sld [smem:$0x3FDB];
	s0 =	simm.s32 @p2 $0x1  }
0x17: {  	s4 =	simm.s32 $0x1BF5;
	[smem:$0x3FBA] =	sst s0  }
0x18: {  	s0 =	sld [smem:$0x3F9D];
	_ =	swait.ge [sflag:s4], $0x0  }
0x19: {  	s7 =	sld [smem:$0x3F9E]  }
0x1a: {  	s8 =	sadd.s32 $0xFFFFE003, lr  }
0x1b: {  	s9 =	sadd.s32 $0xFFFFFEF7, lr;
	s5 =	simm.s32 $0xFFFFFFFF;
	p2 =	slt.u32 s8, $0xFFFFF086  }
0x1c: {  	p1 =	slt.u32 s9, $0xF7A;
	s5 =	simm.s32 @!p2 $0x0  }
0x1d: {  	s5 =	simm.s32 @p1 $0x1;
	p0 =	seq.s32 s7, s2  }
0x1e: {  	s7 =	smul.u32 @!p0 $0xF7A, s2;
	p2 =	seq.s32 @!p0 s5, $0x0  }
0x1f: {  	s9 =	smul.u32 $0xF7A, s1;
	s8 =	simm.s32 @!p0 $0x1BF5;
	p2 =	por !p2, p0  }
0x20: {  	[sflag:s8] =	ssyncset.s32 @!p0 $0xFFFFF086;
	s6 =	sadd.s32 @!p0 s3, s7;
	s7 =	simm.s32 @!p0 $0x108  }
0x21: {  	s3 =	sadd.s32 s3, s9;
	s6 =	sadd.s32 @!p0 $0x88, s6;
	s7 =	simm.s32 @p2 $0x1082  }
0x22: {  	[simem:s7], [sflag:s8] =	dma.local @!p0 [hbm:s6], $0xF7A  }
0x23: {  	s9 =	sor.u32 $0xD0000000, s2;
	s6 =	simm.s32 $0x108;
	_ =	swait.ge @!p0 [sflag:s8], $0x0  }
0x24: {  	s3 =	sadd.s32 $0x88, s3;
	s6 =	simm.s32 @!p1 $0x1082;
	[sflag:s4] =	ssyncset.s32 $0xFFFFF086  }
0x25: {  	[simem:s6], [sflag:s4] =	dma.local [hbm:s3], $0xF7A  }
0x26: {  	[smem:$0x3F9E] =	sst s1;
	(tag) =	ssettag s2;
	_ =	strace s9  }
0x27: {  	s1 =	sld [smem:$0x3FAE]  }
0x28: {  	s2 =	sld [smem:$0x3FAF]  }
0x29: {  	s4 =	sld [smem:$0x3FB1]  }
0x2a: {  	p0 =	seq.s32 s5, $0x0;
	s5 =	sld [smem:$0x3FB2]  }
0x2b: {  	s6 =	sld [smem:$0x3FB3]  }
0x2c: {  	s7 =	sld [smem:$0x3FB4]  }
0x2d: {  	s3 =	simm.s32 $0x108;
	s8 =	sld [smem:$0x3FB5]  }
0x2e: {  	s3 =	simm.s32 @!p0 $0x1082;
	s9 =	sld [smem:$0x3FB6]  }
0x2f: {  	lr =	sadd.s32 s0, s3;
	s0 =	sld [smem:$0x3FAD]  }
0x30: {  	s3 =	sld [smem:$0x3FB0]  }
0x31: {  	[smem:$0x3FB9] =	sst s10  }
0x32: {  	s10 =	sld [smem:$0x3FB7];
	_ =	sdelay $0x3  }
0x33: {  	p0 =	seq.s32 s10, $0x1;
	s10 =	sld [smem:$0x3FB9];
	_ =	sdelay $0x3  }
0x34: {  	[smem:$0x3FB9] =	sst s10  }
0x35: {  	s10 =	sld [smem:$0x3FB8];
	_ =	sdelay $0x3  }
0x36: {  	p1 =	seq.s32 s10, $0x1;
	s10 =	sld [smem:$0x3FB9];
	_ =	sdelay $0x3  }
0x37: {  	[smem:$0x3FB9] =	sst s10  }
0x38: {  	s10 =	sld [smem:$0x3FBA]  }
0x39: {  	_ = 	snop;
	(pc) =	sbr.ind lr, $3  }
0x3a: {  	_ = 	snop  }
0x3b: {  	_ = 	snop  }
0x3c: {  	p2 =	seq.s32 s10, $0x1;
	s10 =	sld [smem:$0x3FB9]  }
0x3d: {  	_ =	shalt  }
0x3e: {  	_ =	shalt  }
0x3f: {  	_ =	shalt  }
0x40: {  	_ =	shalt  }
0x41: {  	_ =	shalt  }
0x42: {  	_ =	shalt  }
0x43: {  	_ =	shalt  }
0x44: {  	_ =	shalt  }
0x45: {  	_ =	shalt  }
0x46: {  	_ =	shalt  }
0x47: {  	_ =	shalt  }
0x48: {  	_ =	shalt  }
0x49: {  	_ =	shalt  }
0x4a: {  	_ =	shalt  }
0x4b: {  	_ =	shalt  }
0x4c: {  	_ =	shalt  }
0x4d: {  	_ =	shalt  }
0x4e: {  	_ =	shalt  }
0x4f: {  	_ =	shalt  }
0x50: {  	_ =	shalt  }
0x51: {  	_ =	shalt  }
0x52: {  	_ =	shalt  }
0x53: {  	_ =	shalt  }
0x54: {  	_ =	shalt  }
0x55: {  	_ =	shalt  }
0x56: {  	_ =	shalt  }
0x57: {  	_ =	shalt  }
0x58: {  	_ =	shalt  }
0x59: {  	_ =	shalt  }
0x5a: {  	_ =	shalt  }
0x5b: {  	_ =	shalt  }
0x5c: {  	_ =	shalt  }
0x5d: {  	_ =	shalt  }
0x5e: {  	_ =	shalt  }
0x5f: {  	_ =	shalt  }
0x60: {  	_ =	shalt  }
0x61: {  	_ =	shalt  }
0x62: {  	_ =	shalt  }
0x63: {  	_ =	shalt  }
0x64: {  	_ =	shalt  }
0x65: {  	_ =	shalt  }
0x66: {  	_ =	shalt  }
0x67: {  	_ =	shalt  }
0x68: {  	_ =	shalt  }
0x69: {  	_ =	shalt  }
0x6a: {  	_ =	shalt  }
0x6b: {  	_ =	shalt  }
0x6c: {  	_ =	shalt  }
0x6d: {  	_ =	shalt  }
0x6e: {  	_ =	shalt  }
0x6f: {  	_ =	shalt  }
0x70: {  	_ =	shalt  }
0x71: {  	_ =	shalt  }
0x72: {  	_ =	shalt  }
0x73: {  	_ =	shalt  }
0x74: {  	_ =	shalt  }
0x75: {  	_ =	shalt  }
0x76: {  	_ =	shalt  }
0x77: {  	_ =	shalt  }
0x78: {  	_ =	shalt  }
0x79: {  	_ =	shalt  }
0x7a: {  	_ =	shalt  }
0x7b: {  	_ =	shalt  }
0x7c: {  	_ =	shalt  }
0x7d: {  	_ =	shalt  }
0x7e: {  	_ =	shalt  }
0x7f: {  	_ =	shalt  }
0x80: {  	_ =	shalt  }
0x81: {  	_ =	shalt  }
0x82: {  	_ =	shalt  }
0x83: {  	_ =	shalt  }
0x84: {  	_ =	shalt  }
0x85: {  	_ =	shalt  }
0x86: {  	_ =	shalt  }
0x87: {  	_ =	shalt  }
.Lfunc_end0:
.L_simem_size_0:
called_computation.1_lowered:
.L_overlay_start_0:
0x88: {  	s2 =	sld [smem:$0x3FD9]  }
0x89: {  	s3 =	sld [smem:$0x3FFE];
	_ =	sdelay $0x1  }
0x8a: {  	s1 =	srdreg.scid  }
0x8b: {  	s0 =	sand.u32 $0x1, s1  }
0x8c: {  	s17 =	sshll.u32 s0, $0xA;
	s2 =	sadd.s32 s3, s2  }
0x8d: {  	s2 =	sadd.s32 s2, s17  }
0x8e: {  	[smem:$0x3FC5] =	sst s2  }
0x8f: {  	_ = 	snop  }
0x90: {  	s2 =	sld [smem:$0x3FD0];
	(tm) =	ssettm $0x1  }
0x91: {  	s18 =	sld [smem:$0x3FFB];
	_ =	sdelay $0x3  }
0x92: {  	_ =	strace s18  }
0x93: {  	s3 =	sld [smem:$0x3FFC];
	_ =	sdelay $0x3  }
0x94: {  	_ =	strace s3  }
0x95: {  	s3 =	sld [smem:$0x3FFD];
	_ =	sdelay $0x3  }
0x96: {  	_ =	strace s3  }
0x97: {  	_ =	strace $0x8FFFFFFF  }
0x98: {  	s19 =	sld [smem:$0x3FDB];
	_ =	sdelay $0x1  }
0x99: {  	s4 =	simm.s32 $_scs_section_size  }
0x9a: {  	s5 =	simm.s32 $_size__tile_overlayer_lowered;
	s6 =	simm.s32 $_tile_overlayer_lowered  }
0x9b: {  	s22 =	simm.s32 $0x1BFF;
	s21 =	sshll.u32 s6, $0x1;
	s3 =	sadd.s32 s4, s19  }
0x9c: {  	s7 =	simm.s32 $0x0;
	s20 =	sshll.u32 s5, $0x1;
	s5 =	sadd.s32 s21, s3  }
0x9d: {  	[timem:s7], [sflag:s22] =	dma.local [hbm:s5], s20  }
0x9e: {  	_ =	swait.ge [sflag:s22], s20  }
0x9f: {  	s4 =	ssub.s32 $0x0, s20;
	[sflag:s22] =	ssyncset.done $0x0  }
0xa0: {  	[sflag:s22] =	ssyncadd.s32 s4;
	_ =	sdelay $0x1  }
0xa1: {  	s23 =	simm.s32 $0x1B8B  }
0xa2: {  	_ =	swait.ge [sflag:s23], $0x1  }
0xa3: {  	[sflag:s23] =	ssyncset.done $0x0  }
0xa4: {  	s25 =	simm.s32 $0x1B8E;
	s24 =	sld [smem:$0x3FFE];
	[sflag:s23] =	ssyncadd.s32 $0xFFFFFFFF  }
0xa5: {  	s26 =	simm.s32 $execute0_lowered;
	[smem:$0x3FD2] =	sst s25  }
0xa6: {  	s5 =	sshll.u32 s26, $0x1;
	_ =	strace $0x80000046;
	[dreg:$0x1] =	wrdreg $0xFFFFFFFF  }
0xa7: {  	s28 =	simm.s32 $_size_execute0_lowered;
	s3 =	sadd.s32 s3, s5;
	[dreg:$0x0] =	wrdreg $0x0  }
0xa8: {  	s5 =	sshll.u32 s28, $0x1;
	[dreg:$0x2] =	wrdreg s3  }
0xa9: {  	[dreg:$0x3] =	wrdreg s5  }
0xaa: {  	[dreg:$0x4] =	wrdreg $0xC0  }
0xab: {  	_ =	task [dreg:s7], $0x5FFFF  }
0xac: {  	[dreg:$0x1] =	wrdreg $0xFFFFFFFF  }
0xad: {  	[dreg:$0x0] =	wrdreg $0x60  }
0xae: {  	[dreg:$0x2] =	wrdreg s24  }
0xaf: {  	[dreg:$0x3] =	wrdreg s2  }
0xb0: {  	[dreg:$0x4] =	wrdreg $0x9  }
0xb1: {  	_ =	task.clear_ibuf [dreg:s7], $0x5FFFF;
	_ =	strace $0x90000046  }
0xb2: {  	s29 =	simm.s32 $0x9;
	_ =	strace $0x80000048  }
0xb3: {  	_ =	swait.ge [sflag:s29], $0x1  }
0xb4: {  	[sflag:s29] =	ssyncadd.s32 $0xFFFFFFFF  }
0xb5: {  	_ =	strace $0x90000048  }
0xb6: {  	_ =	sfence  }
0xb7: {  	s30 =	sld [smem:$0x0];
	_ =	sdelay $0x2  }
0xb8: {  	s31 =	sshll.u32 s1, $0xD;
	s1 =	sshrl.u32 s1, $0x2  }
0xb9: {  	s3 =	sand.u32 $0x4000, s31;
	s1 =	sadd.s32 s1, s30  }
0xba: {  	s0 =	sor.u32 s3, s0;
	s1 =	sshll.u32 s1, $0x11  }
0xbb: {  	s0 =	sor.u32 s1, s0  }
0xbc: {  	s0 =	sadd.s32 $0x8F2B, s0  }
0xbd: {  	[sflag:s0] =	ssyncadd.remote.s32 $0x1  }
0xbe: {  	_ =	sfence.sel $0xFFFF  }
0xbf: {  	[dreg:$0x0] =	wrdreg $0xFFFFFFFF;
	(pc) =	sbr.abs _section_cstart, $3  }
0xc0: {  	[dreg:$0x1] =	wrdreg $0xFFFFFFFF  }
0xc1: {  	_ =	task.clear_ibuf [dreg:s7], $0x2FFFF;
	_ =	strace $0x9FFFFFFF  }
0xc2: {  	(tm) =	ssettm $0x7FFFFFFF  }
0xc3: {  	_ =	shalt  }
tec
execute0_lowered:
.L_overlay_start_1:
0x0: {  	(tag) =	ssettag $0x1  }
0x1: {  	s6 =	rddreg [dreg:$0x0]  }
0x2: {  	s1 =	rddreg [dreg:$0x1]  }
0x3: {  	s0 =	rddreg [dreg:$0x2]  }
0x4: {  	s2 =	simm.s32 $0x0;
	s3 =	srdreg.scid;
	s11 =	simm.s32 $0x64  }
0x5: {  	s12 =	simm.s32 $0xD0;
	s13 =	simm.s32 $0x68;
	s14 =	simm.s32 $0x19D0  }
0x6: {  	s15 =	simm.s32 $0x1;
	s16 =	simm.s32 $0x0;
	[smem:$0x7FF] =	sst s2  }
0x7: {  	s4 =	sadd.s32 $0xC00, s6;
	s7 =	sand.u32 $0x1, s3;
	s5 =	sadd.s32 $0xF43000, s6  }
0x8: {  	s3 =	stileid.u32;
	s6 =	sadd.s32 $0x1AC00, s6;
	s8 =	ssub.s32 $0x2, s7  }
0x9: {  	s10 =	sshll.u32 s3, $0x8;
	s7 =	sshll.u32 s7, $0x7;
	s9 =	sshrl.u32 s8, $0x1  }
0xa: {  	_ =	strace $0x80000047;
	s7 =	sor.u32 s7, s10;
	s8 =	ssub.s32 s8, s9  }
0xb: {  	s10 =	simm.s32 $0x2;
	s9 =	simm.s32 $0x32D0;
	s8 =	smax.u32 s8, $0x1  }
.LBB2_1:
0xc: {  	[tilespmem:s9], [sflag:$0x2] =	stream.linear.gather [hbm4b:s6+s2], $0x3200, $0x38;
	[tilespmem:$0x64D0] =	vst v63  }
0xd: {  	_ =	swait.ge [sflag:s10], $0x3200  }
0xe: {  	[sflag:s10] =	ssyncset.done $0x0  }
0xf: {  	s17 =	simm.s32 $0x0;
	[sflag:s10] =	ssyncadd.s32 $0xFFFFCE00  }
.LBB2_2:
0x10: {  	s18 =	sadd.s32 s7, s17  }
0x11: {  	s19 =	smul.u32 $0x1A, s18;
	_ =	sdelay $0x1  }
0x12: {  	s19 =	sadd.s32 s4, s19  }
0x13: {  	[tilespmem:s2], [sflag:$0x2] =	stream.linear.gather [hbm4b:s19+s2], $0xD0, $0x38;
	[tilespmem:$0x64D0] =	vst v63  }
0x14: {  	_ =	swait.ge [sflag:s10], $0xD0  }
0x15: {  	[sflag:s10] =	ssyncset.done $0x0  }
0x16: {  	[sflag:s10] =	ssyncadd.s32 $0xFFFFFF30  }
0x17: {  	[tilespmem:s12], [sflag:$0x1] =	stream.indirect.gather [hbm4b:s5+s11], $0x40, s2, s11, $0xb8;
	[tilespmem:$0x64D0] =	vst v63  }
0x18: {  	_ = 	snop  }
0x19: {  	[tilespmem:s14], [sflag:$0x1] =	stream.indirect.gather [hbm4b:s5+s11], $0x40, s13, s11, $0xb8;
	[tilespmem:$0x64D0] =	vst v63  }
0x1a: {  	_ =	swait.ge [sflag:s15], $0x1900  }
0x1b: {  	[sflag:s15] =	ssyncset.done $0x0  }
0x1c: {  	[sflag:s15] =	ssyncadd.s32 $0xFFFFE700  }
0x1d: {  	_ =	swait.ge [sflag:s15], $0x1900  }
0x1e: {  	[sflag:s15] =	ssyncset.done $0x0  }
0x1f: {  	s19 =	simm.s32 $0x150;
	[sflag:s15] =	ssyncadd.s32 $0xFFFFE700  }
0x20: {  	s20 =	simm.s32 $0x3350;
	v0 =	vld [tilespmem:s19+$0xFFFFFF80]  }
0x21: {  	v1 =	vld [tilespmem:s20+$0xFFFFFF80];
	_ =	sdelay $0x4  }
0x22: {  	v0 =	vadd.f32 v1, v0;
	_ =	sdelay $0x1  }
0x23: {  	[tilespmem:s19+$0xFFFFFF80] =	vst v0;
	v0 =	vld [tilespmem:s19+$0xFFFFFF90]  }
0x24: {  	v1 =	vld [tilespmem:s20+$0xFFFFFF90];
	_ =	sdelay $0x4  }
0x25: {  	v0 =	vadd.f32 v1, v0;
	_ =	sdelay $0x1  }
0x26: {  	[tilespmem:s19+$0xFFFFFF90] =	vst v0;
	v0 =	vld [tilespmem:s19+$0xFFFFFFA0]  }
0x27: {  	v1 =	vld [tilespmem:s20+$0xFFFFFFA0];
	_ =	sdelay $0x4  }
0x28: {  	v0 =	vadd.f32 v1, v0;
	_ =	sdelay $0x1  }
0x29: {  	[tilespmem:s19+$0xFFFFFFA0] =	vst v0;
	v0 =	vld [tilespmem:s19+$0xFFFFFFB0]  }
0x2a: {  	v1 =	vld [tilespmem:s20+$0xFFFFFFB0];
	_ =	sdelay $0x4  }
0x2b: {  	v0 =	vadd.f32 v1, v0;
	_ =	sdelay $0x1  }
0x2c: {  	[tilespmem:s19+$0xFFFFFFB0] =	vst v0;
	v0 =	vld [tilespmem:s19+$0xFFFFFFC0]  }
0x2d: {  	v1 =	vld [tilespmem:s20+$0xFFFFFFC0];
	_ =	sdelay $0x4  }
0x2e: {  	v0 =	vadd.f32 v1, v0;
	_ =	sdelay $0x1  }
0x2f: {  	[tilespmem:s19+$0xFFFFFFC0] =	vst v0;
	v0 =	vld [tilespmem:s19+$0xFFFFFFD0]  }
0x30: {  	v1 =	vld [tilespmem:s20+$0xFFFFFFD0];
	_ =	sdelay $0x4  }
0x31: {  	v0 =	vadd.f32 v1, v0;
	_ =	sdelay $0x1  }
0x32: {  	[tilespmem:s19+$0xFFFFFFD0] =	vst v0;
	v0 =	vld [tilespmem:s19+$0xFFFFFFE0]  }
0x33: {  	v1 =	vld [tilespmem:s20+$0xFFFFFFE0];
	_ =	sdelay $0x4  }
0x34: {  	v0 =	vadd.f32 v1, v0;
	_ =	sdelay $0x1  }
0x35: {  	[tilespmem:s19+$0xFFFFFFE0] =	vst v0;
	v0 =	vld [tilespmem:s19+$0xFFFFFFF0]  }
0x36: {  	v1 =	vld [tilespmem:s20+$0xFFFFFFF0];
	_ =	sdelay $0x4  }
0x37: {  	v0 =	vadd.f32 v1, v0;
	_ =	sdelay $0x1  }
0x38: {  	[tilespmem:s19+$0xFFFFFFF0] =	vst v0;
	v0 =	vld [tilespmem:s19+$0x0]  }
0x39: {  	v1 =	vld [tilespmem:s20+$0x0];
	_ =	sdelay $0x4  }
0x3a: {  	v0 =	vadd.f32 v1, v0;
	_ =	sdelay $0x1  }
0x3b: {  	[tilespmem:s19+$0x0] =	vst v0;
	v0 =	vld [tilespmem:s19+$0x10]  }
0x3c: {  	v1 =	vld [tilespmem:s20+$0x10];
	_ =	sdelay $0x4  }
0x3d: {  	v0 =	vadd.f32 v1, v0;
	_ =	sdelay $0x1  }
0x3e: {  	[tilespmem:s19+$0x10] =	vst v0;
	v0 =	vld [tilespmem:s19+$0x20]  }
0x3f: {  	v1 =	vld [tilespmem:s20+$0x20];
	_ =	sdelay $0x4  }
0x40: {  	v0 =	vadd.f32 v1, v0;
	_ =	sdelay $0x1  }
0x41: {  	[tilespmem:s19+$0x20] =	vst v0;
	v0 =	vld [tilespmem:s19+$0x30]  }
0x42: {  	v1 =	vld [tilespmem:s20+$0x30];
	_ =	sdelay $0x4  }
0x43: {  	v0 =	vadd.f32 v1, v0;
	_ =	sdelay $0x1  }
0x44: {  	[tilespmem:s19+$0x30] =	vst v0;
	v0 =	vld [tilespmem:s19+$0x40]  }
0x45: {  	v1 =	vld [tilespmem:s20+$0x40];
	_ =	sdelay $0x4  }
0x46: {  	v0 =	vadd.f32 v1, v0;
	_ =	sdelay $0x1  }
0x47: {  	[tilespmem:s19+$0x40] =	vst v0;
	v0 =	vld [tilespmem:s19+$0x50]  }
0x48: {  	v1 =	vld [tilespmem:s20+$0x50];
	_ =	sdelay $0x4  }
0x49: {  	v0 =	vadd.f32 v1, v0;
	_ =	sdelay $0x1  }
0x4a: {  	[tilespmem:s19+$0x50] =	vst v0;
	v0 =	vld [tilespmem:s19+$0x60]  }
0x4b: {  	v1 =	vld [tilespmem:s20+$0x60];
	_ =	sdelay $0x4  }
0x4c: {  	v0 =	vadd.f32 v1, v0;
	_ =	sdelay $0x1  }
0x4d: {  	[tilespmem:s19+$0x60] =	vst v0;
	v0 =	vld [tilespmem:s19+$0x70]  }
0x4e: {  	v1 =	vld [tilespmem:s20+$0x70];
	_ =	sdelay $0x4  }
0x4f: {  	v0 =	vadd.f32 v1, v0  }
0x50: {  	s21 =	simm.s32 $0x0;
	s22 =	simm.s32 $0x250  }
.LBB2_3:
0x51: {  	v1 =	vld [tilespmem:s22+$0xFFFFFF80];
	[tilespmem:s19+$0x70] =	vst v0;
	s20 =	sadd.s32 $0x100, s20;
	s19 =	smov.u32 s22  }
0x52: {  	s21 =	sadd.s32 $0x4, s21;
	v0 =	vld [tilespmem:s20+$0xFFFFFF80]  }
0x53: {  	p0 =	slt.u32 s21, $0xC4;
	_ =	sdelay $0x3  }
0x54: {  	v0 =	vadd.f32 v0, v1;
	_ =	sdelay $0x1  }
0x55: {  	[tilespmem:s22+$0xFFFFFF80] =	vst v0;
	v0 =	vld [tilespmem:s22+$0xFFFFFF90]  }
0x56: {  	v1 =	vld [tilespmem:s20+$0xFFFFFF90];
	_ =	sdelay $0x4  }
0x57: {  	v0 =	vadd.f32 v1, v0;
	_ =	sdelay $0x1  }
0x58: {  	[tilespmem:s22+$0xFFFFFF90] =	vst v0;
	v0 =	vld [tilespmem:s22+$0xFFFFFFA0]  }
0x59: {  	v1 =	vld [tilespmem:s20+$0xFFFFFFA0];
	_ =	sdelay $0x4  }
0x5a: {  	v0 =	vadd.f32 v1, v0;
	_ =	sdelay $0x1  }
0x5b: {  	[tilespmem:s22+$0xFFFFFFA0] =	vst v0;
	v0 =	vld [tilespmem:s22+$0xFFFFFFB0]  }
0x5c: {  	v1 =	vld [tilespmem:s20+$0xFFFFFFB0];
	_ =	sdelay $0x4  }
0x5d: {  	v0 =	vadd.f32 v1, v0;
	_ =	sdelay $0x1  }
0x5e: {  	[tilespmem:s22+$0xFFFFFFB0] =	vst v0;
	v0 =	vld [tilespmem:s22+$0xFFFFFFC0]  }
0x5f: {  	v1 =	vld [tilespmem:s20+$0xFFFFFFC0];
	_ =	sdelay $0x4  }
0x60: {  	v0 =	vadd.f32 v1, v0;
	_ =	sdelay $0x1  }
0x61: {  	[tilespmem:s22+$0xFFFFFFC0] =	vst v0;
	v0 =	vld [tilespmem:s22+$0xFFFFFFD0]  }
0x62: {  	v1 =	vld [tilespmem:s20+$0xFFFFFFD0];
	_ =	sdelay $0x4  }
0x63: {  	v0 =	vadd.f32 v1, v0;
	_ =	sdelay $0x1  }
0x64: {  	[tilespmem:s22+$0xFFFFFFD0] =	vst v0;
	v0 =	vld [tilespmem:s22+$0xFFFFFFE0]  }
0x65: {  	v1 =	vld [tilespmem:s20+$0xFFFFFFE0];
	_ =	sdelay $0x4  }
0x66: {  	v0 =	vadd.f32 v1, v0;
	_ =	sdelay $0x1  }
0x67: {  	[tilespmem:s22+$0xFFFFFFE0] =	vst v0;
	v0 =	vld [tilespmem:s22+$0xFFFFFFF0]  }
0x68: {  	v1 =	vld [tilespmem:s20+$0xFFFFFFF0];
	_ =	sdelay $0x4  }
0x69: {  	v0 =	vadd.f32 v1, v0;
	_ =	sdelay $0x1  }
0x6a: {  	[tilespmem:s22+$0xFFFFFFF0] =	vst v0;
	v0 =	vld [tilespmem:s22+$0x0]  }
0x6b: {  	v1 =	vld [tilespmem:s20+$0x0];
	_ =	sdelay $0x4  }
0x6c: {  	v0 =	vadd.f32 v1, v0;
	_ =	sdelay $0x1  }
0x6d: {  	[tilespmem:s22+$0x0] =	vst v0;
	v0 =	vld [tilespmem:s22+$0x10]  }
0x6e: {  	v1 =	vld [tilespmem:s20+$0x10];
	_ =	sdelay $0x4  }
0x6f: {  	v0 =	vadd.f32 v1, v0;
	_ =	sdelay $0x1  }
0x70: {  	[tilespmem:s22+$0x10] =	vst v0;
	v0 =	vld [tilespmem:s22+$0x20]  }
0x71: {  	v1 =	vld [tilespmem:s20+$0x20];
	_ =	sdelay $0x4  }
0x72: {  	v0 =	vadd.f32 v1, v0;
	_ =	sdelay $0x1  }
0x73: {  	[tilespmem:s22+$0x20] =	vst v0;
	v0 =	vld [tilespmem:s22+$0x30]  }
0x74: {  	v1 =	vld [tilespmem:s20+$0x30];
	_ =	sdelay $0x4  }
0x75: {  	v0 =	vadd.f32 v1, v0;
	_ =	sdelay $0x1  }
0x76: {  	[tilespmem:s22+$0x30] =	vst v0;
	v0 =	vld [tilespmem:s22+$0x40]  }
0x77: {  	v1 =	vld [tilespmem:s20+$0x40];
	_ =	sdelay $0x4  }
0x78: {  	v0 =	vadd.f32 v1, v0;
	_ =	sdelay $0x1  }
0x79: {  	[tilespmem:s22+$0x40] =	vst v0;
	v0 =	vld [tilespmem:s22+$0x50]  }
0x7a: {  	v1 =	vld [tilespmem:s20+$0x50];
	_ =	sdelay $0x4  }
0x7b: {  	v0 =	vadd.f32 v1, v0;
	_ =	sdelay $0x1  }
0x7c: {  	[tilespmem:s22+$0x50] =	vst v0;
	v0 =	vld [tilespmem:s22+$0x60]  }
0x7d: {  	v1 =	vld [tilespmem:s20+$0x60];
	_ =	sdelay $0x4  }
0x7e: {  	v0 =	vadd.f32 v1, v0;
	_ =	sdelay $0x1  }
0x7f: {  	[tilespmem:s22+$0x60] =	vst v0;
	v0 =	vld [tilespmem:s22+$0x70]  }
0x80: {  	v1 =	vld [tilespmem:s20+$0x70];
	_ =	sdelay $0x1  }
.Ltmp0:
0x81: {  	(pc) =	sbr.rel @p0 .LBB2_3-.Ltmp0, $3  }
0x82: {  	_ =	sdelay $0x1  }
0x83: {  	v0 =	vadd.f32 v1, v0  }
0x84: {  	s22 =	sadd.s32 $0x100, s22  }
0x85: {  	s18 =	smul.u32 $0x640, s18;
	s17 =	sadd.s32 $0x1, s17  }
0x86: {  	p0 =	sne.s32 s17, $0x80  }
.Ltmp1:
0x87: {  	[tilespmem:s19+$0x70] =	vst v0;
	s18 =	sadd.s32 s1, s18;
	(pc) =	sbr.rel @p0 .LBB2_2-.Ltmp1, $4  }
0x88: {  	[hbm4b:s18+s2] =	stream.linear.scatter [tilespmem:s12], [sflag:$0x2], $0x3200, $0x38;
	[tilespmem:$0x64D0] =	vst v63  }
0x89: {  	_ =	swait.ge [sflag:s10], $0x3200  }
0x8a: {  	[sflag:s10] =	ssyncset.done $0x0  }
0x8b: {  	[sflag:s10] =	ssyncadd.s32 $0xFFFFCE00  }
0x8c: {  	s16 =	sadd.s32 $0x1, s16  }
0x8d: {  	p0 =	sne.s32 s16, s8  }
.Ltmp2:
0x8e: {  	_ = 	snop;
	(pc) =	sbr.rel @p0 .LBB2_1-.Ltmp2, $1  }
0x8f: {  	_ =	sdelay $0x3  }
0x90: {  	_ =	sfence.sel $0x180000  }
0x91: {  	[bflag:$0x0] =	sbarrier.arrive $0xFFFF  }
0x92: {  	p0 =	sne.s32 s3, $0x0;
	_ =	strace $0x90000047  }
0x93: {  	s0 =	sadd.s32 @!p0 $0x100000, s0;
	[bflag:$0x2] =	sbarrier.arrive $0xFFFF  }
0x94: {  	[sflag:s0] =	ssyncadd.tile.s32 @!p0 $0x1;
	_ =	shalt  }
.Lfunc_end2:
_tile_overlayer_lowered:
.L_overlay_start_2:
0x95: {  	(tag) =	ssettag $0x2  }
0x96: {  	s0 =	rddreg [dreg:$0x0];
	s2 =	stileid.u32  }
0x97: {  	s1 =	rddreg [dreg:$0x1];
	p0 =	sne.s32 s2, $0x0  }
0x98: {  	s3 =	rddreg [dreg:$0x2];
	[bflag:$0x3] =	sbarrier.arrive $0xFFFF;
	s2 =	simm.s32 @!p0 $0x1C02  }
0x99: {  	[timem:s3], [sflag:s2] =	dma.local @!p0 [hbm:s0], s1  }
0x9a: {  	s0 =	simm.s32 @!p0 $0x2  }
0x9b: {  	_ =	swait.ge @!p0 [sflag:s0], s1  }
0x9c: {  	s1 =	ssub.s32 @!p0 $0x0, s1;
	[sflag:s0] =	ssyncset.done @!p0 $0x0  }
0x9d: {  	[sflag:s0] =	ssyncadd.s32 @!p0 s1  }
0x9e: {  	[bflag:$0x3] =	sbarrier.arrive $0xFFFF  }
0x9f: {  	_ =	shalt  }

// kernel: sparse-core-data-format-call.cloned.1.call-start
scs
called_computation_lowered:
.L_overlay_start_0:
0x0: {  	s2 =	sld [smem:$0x3FD9]  }
0x1: {  	s3 =	sld [smem:$0x3FFE];
	_ =	sdelay $0x1  }
0x2: {  	s1 =	srdreg.scid  }
0x3: {  	s0 =	sand.u32 $0x1, s1  }
0x4: {  	s18 =	sshll.u32 s0, $0xA;
	s2 =	sadd.s32 s3, s2  }
0x5: {  	s2 =	sadd.s32 s2, s18  }
0x6: {  	[smem:$0x3FC5] =	sst s2  }
0x7: {  	_ = 	snop  }
0x8: {  	s2 =	sld [smem:$0x3FD0];
	(tm) =	ssettm $0x1  }
0x9: {  	s19 =	sld [smem:$0x3FFB];
	_ =	sdelay $0x3  }
0xa: {  	_ =	strace s19  }
0xb: {  	s3 =	sld [smem:$0x3FFC];
	_ =	sdelay $0x3  }
0xc: {  	_ =	strace s3  }
0xd: {  	s3 =	sld [smem:$0x3FFD];
	_ =	sdelay $0x3  }
0xe: {  	_ =	strace s3  }
0xf: {  	_ =	strace $0x8FFFFFFF  }
0x10: {  	s20 =	sld [smem:$0x3FDB];
	_ =	sdelay $0x1  }
0x11: {  	s4 =	simm.s32 $_scs_section_size  }
0x12: {  	s5 =	simm.s32 $_size__tile_overlayer_lowered;
	s6 =	simm.s32 $_tile_overlayer_lowered  }
0x13: {  	s23 =	simm.s32 $0x1BFF;
	s22 =	sshll.u32 s6, $0x1;
	s3 =	sadd.s32 s4, s20  }
0x14: {  	s7 =	simm.s32 $0x0;
	s21 =	sshll.u32 s5, $0x1;
	s5 =	sadd.s32 s22, s3  }
0x15: {  	[timem:s7], [sflag:s23] =	dma.local [hbm:s5], s21  }
0x16: {  	_ =	swait.ge [sflag:s23], s21  }
0x17: {  	s4 =	ssub.s32 $0x0, s21;
	[sflag:s23] =	ssyncset.done $0x0  }
0x18: {  	[sflag:s23] =	ssyncadd.s32 s4;
	_ =	sdelay $0x1  }
0x19: {  	s24 =	simm.s32 $0x1B8B  }
0x1a: {  	_ =	swait.ge [sflag:s24], $0x1  }
0x1b: {  	[sflag:s24] =	ssyncset.done $0x0  }
0x1c: {  	s26 =	simm.s32 $0x1B8E;
	s25 =	sld [smem:$0x3FFE];
	[sflag:s24] =	ssyncadd.s32 $0xFFFFFFFF  }
0x1d: {  	s27 =	simm.s32 $execute0_lowered;
	[smem:$0x3FD2] =	sst s26  }
0x1e: {  	s5 =	sshll.u32 s27, $0x1;
	_ =	strace $0x80000049;
	[dreg:$0x1] =	wrdreg $0xFFFFFFFF  }
0x1f: {  	s28 =	simm.s32 $_size_execute0_lowered;
	s3 =	sadd.s32 s3, s5;
	[dreg:$0x0] =	wrdreg $0x0  }
0x20: {  	s5 =	sshll.u32 s28, $0x1;
	[dreg:$0x2] =	wrdreg s3  }
0x21: {  	[dreg:$0x3] =	wrdreg s5  }
0x22: {  	[dreg:$0x4] =	wrdreg $0xC0  }
0x23: {  	_ =	task [dreg:s7], $0x5FFFF  }
0x24: {  	[dreg:$0x1] =	wrdreg $0xFFFFFFFF  }
0x25: {  	[dreg:$0x0] =	wrdreg $0x60  }
0x26: {  	[dreg:$0x2] =	wrdreg s25  }
0x27: {  	[dreg:$0x3] =	wrdreg s2  }
0x28: {  	[dreg:$0x4] =	wrdreg $0x9  }
0x29: {  	_ =	task.clear_ibuf [dreg:s7], $0x5FFFF;
	_ =	strace $0x90000049  }
0x2a: {  	s29 =	simm.s32 $0x9;
	_ =	strace $0x8000004B  }
0x2b: {  	_ =	swait.ge [sflag:s29], $0x1  }
0x2c: {  	[sflag:s29] =	ssyncadd.s32 $0xFFFFFFFF  }
0x2d: {  	_ =	strace $0x9000004B  }
0x2e: {  	_ =	sfence  }
0x2f: {  	s30 =	sld [smem:$0x0];
	_ =	sdelay $0x2  }
0x30: {  	s31 =	sshll.u32 s1, $0xD;
	s1 =	sshrl.u32 s1, $0x2  }
0x31: {  	s3 =	sand.u32 $0x4000, s31;
	s1 =	sadd.s32 s1, s30  }
0x32: {  	s0 =	sor.u32 s3, s0;
	s1 =	sshll.u32 s1, $0x11  }
0x33: {  	s0 =	sor.u32 s1, s0  }
0x34: {  	s0 =	sadd.s32 $0x8F2B, s0  }
0x35: {  	[sflag:s0] =	ssyncadd.remote.s32 $0x1  }
0x36: {  	_ =	sfence.sel $0xFFFF  }
0x37: {  	[dreg:$0x0] =	wrdreg $0xFFFFFFFF;
	(pc) =	sbr.abs _section_cstart, $3  }
0x38: {  	[dreg:$0x1] =	wrdreg $0xFFFFFFFF  }
0x39: {  	_ =	task.clear_ibuf [dreg:s7], $0x2FFFF;
	_ =	strace $0x9FFFFFFF  }
0x3a: {  	(tm) =	ssettm $0x7FFFFFFF  }
0x3b: {  	_ =	shalt  }
tec
execute0_lowered:
.L_overlay_start_1:
0x0: {  	(tag) =	ssettag $0x1  }
0x1: {  	s0 =	srdreg.scid  }
0x2: {  	s1 =	sshll.u32 s0, $0x4  }
0x3: {  	s4 =	rddreg [dreg:$0x0];
	s0 =	stileid.u32;
	s1 =	sand.u32 $0x10, s1  }
0x4: {  	s2 =	rddreg [dreg:$0x1];
	s7 =	simm.s32 $0x1;
	s1 =	sor.u32 s0, s1  }
0x5: {  	s8 =	simm.s32 $0x2;
	s11 =	simm.s32 $0x0;
	s3 =	sshll.u32 s1, $0x7  }
0x6: {  	s10 =	simm.s32 $0x0;
	s4 =	sadd.s32 $0xC00, s4;
	s6 =	ssub.s32 $0xC8000, s3  }
.Ltmp0:
0x7: {  	s1 =	rddreg [dreg:$0x2];
	s5 =	sand.u32 $0xF80, s6;
	(pc) =	sbr.rel .LBB1_1-.Ltmp0, $4  }
0x8: {  	_ =	strace $0x8000004A;
	s9 =	smov.u32 s3;
	p0 =	sne.s32 s5, $0x0  }
0x9: {  	s6 =	sshrl.u32 s6, $0xC;
	s5 =	simm.s32 $0x1;
	s7 =	simm.s32 @!p0 $0x0  }
0xa: {  	[sflag:s5] =	ssyncpa.u1 $0x0;
	p0 =	por $0x0, $0x0;
	s6 =	sadd.s32 s7, s6  }
0xb: {  	[sflag:s8] =	ssyncpa.u1 $0x0;
	s8 =	simm.s32 $0x640000;
	s7 =	sadd.s32 $0x1, s6  }
.LBB1_4:
0xc: {  	s14 =	sshll.u32 s11, $0x3  }
0xd: {  	s30 =	sand.u32 $0x7F, s11;
	s15 =	sand.u32 $0xFFFFFC00, s14  }
0xe: {  	s11 =	sor.u32 s30, s15  }
0xf: {  	s15 =	smulhi.u32 $0x51EB851F, s11  }
0x10: {  	s14 =	smulhi.u32 $0x51EB851F, s14  }
0x11: {  	s15 =	sshrl.u32 s15, $0x12  }
0x12: {  	s14 =	sshrl.u32 s14, $0x12;
	s15 =	smul.u32 $0xC8000, s15  }
0x13: {  	s14 =	sand.u32 $0x3F, s14  }
0x14: {  	s14 =	smul.u32 $0x19000, s14;
	s11 =	ssub.s32 s11, s15  }
0x15: {  	[tilespmem:s13+$0x810 ss:$0x81] =	vst.msk $0xffff, v2;
	s15 =	sand.u32 $0x7, s11  }
0x16: {  	[tilespmem:s13+$0x1020 ss:$0x81] =	vst.msk $0xffff, v0;
	s14 =	sadd.s32 s2, s14;
	s11 =	sshrl.u32 s11, $0x3;
	s15 =	sshll.u32 s15, $0x12  }
0x17: {  	[tilespmem:s13+$0x0 ss:$0x81] =	vst.msk $0xffff, v1;
	s11 =	sadd.s32 s11, s14;
	s31 =	sor.u32 $0x400, s15  }
0x18: {  	[hbm4b:s11+s31] =	stream.strided.scatter [tilespmem:s12], [sflag:$0x2], $0x2000, s8, s31, $0x20;
	[tilespmem:$0x8080] =	vst v63  }
.LBB1_5:
0x19: {  	s13 =	sadd.s32 $0x1000, s9  }
0x1a: {  	p2 =	sgt.s32 s13, $0xC7FFF  }
0x1b: {  	s13 =	smov.u32 @p2 s3;
	p2 =	sne.s32 s10, s7  }
.Ltmp1:
0x1c: {  	p1 =	slt.u32 s10, $0x2;
	(pc) =	sbr.rel @!p2 .LBB1_6-.Ltmp1, $4  }
0x1d: {  	s12 =	simm.s32 @!p1 $0x2  }
0x1e: {  	s14 =	sadd.s32 $0x1, s10;
	_ =	swait.ge @!p1 [sflag:s12], $0x2000  }
0x1f: {  	s11 =	smov.u32 s9;
	p0 =	por !p0, !p0;
	[sflag:s12] =	ssyncset.done @!p1 $0x0  }
0x20: {  	s10 =	smov.u32 s14;
	s9 =	smov.u32 s13;
	[sflag:s12] =	ssyncadd.s32 @!p1 $0xFFFFE000  }
.LBB1_1:
0x21: {  	p1 =	sge.u32 s10, s6  }
0x22: {  	s12 =	sand.u32 @!p1 $0x1FFFFFF, s9  }
0x23: {  	s13 =	smulhi.u32 @!p1 $0x147AE15, s12;
	_ =	sdelay $0x1  }
0x24: {  	s13 =	sshrl.u32 @!p1 s13, $0xC  }
0x25: {  	s13 =	smul.u32 @!p1 $0xC8000, s13;
	_ =	sdelay $0x1  }
0x26: {  	s31 =	sadd.s32 $0xFFFFFFFF, s10;
	s14 =	sxor.u32 @!p1 $0xFFFFFFFF, s10;
	s12 =	ssub.s32 @!p1 s12, s13  }
0x27: {  	s15 =	simm.s32 @!p1 $0x80;
	s14 =	sshll.u32 @!p1 s14, $0xD;
	s12 =	sshll.u32 @!p1 s12, $0x4  }
0x28: {  	s13 =	sand.u32 @!p1 $0x2000, s14;
	s14 =	simm.s32 @!p1 $0x40;
	s12 =	sadd.s32 @!p1 s4, s12  }
0x29: {  	[tilespmem:s13], [sflag:$0x1] =	stream.strided.gather @!p1 [hbm4b:s12+s14], $0x2000, s15, s14, $0x38;
	[tilespmem:$0x8080] =	vst v63  }
0x2a: {  	p1 =	sge.u32 s31, s6  }
.Ltmp2:
0x2b: {  	_ = 	snop;
	(pc) =	sbr.rel @p1 .LBB1_5-.Ltmp2, $1  }
0x2c: {  	_ =	sdelay $0x3  }
0x2d: {  	s12 =	simm.s32 $0x1  }
0x2e: {  	_ =	swait.ge [sflag:s5], $0x2000;
	s12 =	simm.s32 @!p0 $0x0  }
0x2f: {  	[sflag:s5] =	ssyncset.done $0x0;
	s13 =	sshll.u32 s12, $0xD  }
0x30: {  	[sflag:s5] =	ssyncadd.s32 $0xFFFFE000;
	s16 =	sor.u32 $0x20, s13  }
0x31: {  	s12 =	smul.u32 $0x8100, s12;
	v3 =	vld [tilespmem:s16+$0x10]  }
0x32: {  	s30 =	sand.u32 $0x1, s10;
	v2 =	vld [tilespmem:s16+$0xFFFFFFF0]  }
0x33: {  	s13 =	smul.u32 $0x8100, s30;
	s12 =	sshrl.u32 s12, $0x2;
	v0 =	vld [tilespmem:s16+$0x0]  }
0x34: {  	v1 =	vld [tilespmem:s16+$0xFFFFFFE0];
	s14 =	sor.u32 $0x4000, s12  }
0x35: {  	s31 =	sshrl.u32 s13, $0x2;
	s13 =	sadd.s32 $0x0, s14  }
0x36: {  	s15 =	simm.s32 $0x4;
	s16 =	sadd.s32 $0x40, s16;
	s12 =	sor.u32 $0x4000, s31;
	[tilespmem:s13+$0x1830 ss:$0x81] =	vst.msk $0xffff, v3  }
.LBB1_3:
0x37: {  	v3 =	vld [tilespmem:s16+$0x10];
	p1 =	sne.s32 s15, $0x1FC;
	[tilespmem:s13+$0x810 ss:$0x81] =	vst.msk $0xffff, v2;
	s17 =	smov.u32 s15;
	s15 =	sadd.s32 $0x4, s15  }
.Ltmp3:
0x38: {  	v2 =	vld [tilespmem:s16+$0xFFFFFFF0];
	[tilespmem:s13+$0x1020 ss:$0x81] =	vst.msk $0xffff, v0;
	(pc) =	sbr.rel @p1 .LBB1_3-.Ltmp3, $4  }
0x39: {  	v0 =	vld [tilespmem:s16+$0x0];
	[tilespmem:s13+$0x0 ss:$0x81] =	vst.msk $0xffff, v1  }
0x3a: {  	s13 =	sshra.s32 s17, $0x2;
	v1 =	vld [tilespmem:s16+$0xFFFFFFE0]  }
0x3b: {  	s13 =	sadd.s32 s13, s14  }
0x3c: {  	s16 =	sadd.s32 $0x40, s16;
	[tilespmem:s13+$0x1830 ss:$0x81] =	vst.msk $0xffff, v3  }
.Ltmp4:
0x3d: {  	_ = 	snop;
	(pc) =	sbr.rel .LBB1_4-.Ltmp4, $1  }
0x3e: {  	_ =	sdelay $0x3  }
.LBB1_6:
0x3f: {  	_ =	sfence.sel $0x180000  }
0x40: {  	s2 =	simm.s32 $0x1;
	[bflag:$0x0] =	sbarrier.arrive $0xFFFF  }
0x41: {  	s31 =	simm.s32 $0x2;
	[sflag:s2] =	ssyncpa.u1 $0x1  }
0x42: {  	[sflag:s31] =	ssyncpa.u1 $0x1  }
0x43: {  	p0 =	sne.s32 s0, $0x0;
	_ =	strace $0x9000004A  }
0x44: {  	s0 =	sadd.s32 @!p0 $0x100000, s1;
	[bflag:$0x2] =	sbarrier.arrive $0xFFFF  }
0x45: {  	[sflag:s0] =	ssyncadd.tile.s32 @!p0 $0x1;
	_ =	shalt  }
.Lfunc_end1:
_tile_overlayer_lowered:
.L_overlay_start_2:
0x46: {  	(tag) =	ssettag $0x2  }
0x47: {  	s0 =	rddreg [dreg:$0x0];
	s2 =	stileid.u32  }
0x48: {  	s1 =	rddreg [dreg:$0x1];
	p0 =	sne.s32 s2, $0x0  }
0x49: {  	s3 =	rddreg [dreg:$0x2];
	[bflag:$0x3] =	sbarrier.arrive $0xFFFF;
	s2 =	simm.s32 @!p0 $0x1C01  }
0x4a: {  	[timem:s3], [sflag:s2] =	dma.local @!p0 [hbm:s0], s1  }
0x4b: {  	s0 =	simm.s32 @!p0 $0x1  }
0x4c: {  	_ =	swait.ge @!p0 [sflag:s0], s1  }
0x4d: {  	s1 =	ssub.s32 @!p0 $0x0, s1;
	[sflag:s0] =	ssyncset.done @!p0 $0x0  }
0x4e: {  	[sflag:s0] =	ssyncadd.s32 @!p0 s1  }
0x4f: {  	[bflag:$0x3] =	sbarrier.arrive $0xFFFF  }
0x50: {  	_ =	shalt  }

</sc_bundles>
